<compile_context>
chip_gen: v7x
topology: tpu7x:2x2x1
jax: 0.10.2.dev20260603
libtpu: 0.0.44.dev20260713+nightly
codegen_flags: <defaults>
</compile_context>

<pallas_src>
import functools

import jax
import jax.numpy as jnp
from jax import lax
from jax.experimental import pallas as pl
from jax.experimental.pallas import tpu as pltpu
from jax.experimental.pallas import tpu_sc as plsc

_C = 40
_D = 256
_B = 16384
_BB = 4096
_NB = _B // _BB

_NC = 2
_NS = 16
_NW = _NC * _NS
_BPW = _B // _NW


def _gather_u(u_flat, idx):
    mesh = plsc.VectorSubcoreMesh(core_axis_name="c", subcore_axis_name="s")

    @functools.partial(
        pl.kernel,
        mesh=mesh,
        out_type=jax.ShapeDtypeStruct((_B,), jnp.float32),
        scratch_types=[
            pltpu.VMEM((_BPW,), jnp.int32),
            pltpu.VMEM((_BPW,), jnp.float32),
            pltpu.SemaphoreType.DMA,
        ],
    )
    def k(u_hbm, idx_hbm, out_hbm, idx_v, vals_v, sem):
        wid = lax.axis_index("s") * _NC + lax.axis_index("c")
        base = wid * _BPW
        pltpu.sync_copy(idx_hbm.at[pl.ds(base, _BPW)], idx_v)
        pltpu.async_copy(u_hbm.at[idx_v], vals_v, sem).wait()
        pltpu.sync_copy(vals_v, out_hbm.at[pl.ds(base, _BPW)])

    return k(u_flat, idx)


def _vexp(x):
    return jnp.max(jnp.exp(jnp.full((8, 128), x, dtype=jnp.float32)))


def _vlog(x):
    return jnp.max(jnp.log(jnp.full((8, 128), x, dtype=jnp.float32)))


def _dense_body(ta_ref, logits_ref, label_ref, emb_ref, mv_ref, u_ref,
                o0_ref, o1_ref, o2_ref, o3_ref, acc_ref):
    i = pl.program_id(0)
    ta = ta_ref[0]
    logits = logits_ref[...]
    label = label_ref[...]
    emb = emb_ref[...]
    mv = mv_ref[...]
    u_row = u_ref[...].reshape(1, _BB)

    emb2 = emb * emb
    emb_ss = lax.dot_general(jnp.ones((1, _D), jnp.float32), emb2,
                             (((1,), (1,)), ((), ())),
                             preferred_element_type=jnp.float32)
    inv_en = lax.rsqrt(jnp.maximum(emb_ss, 1e-16))
    mv_ss = jnp.sum(mv * mv, axis=1, keepdims=True)
    inv_mn = lax.rsqrt(jnp.maximum(mv_ss, 1e-16))
    sim = lax.dot_general(mv, emb, (((1,), (1,)), ((), ())),
                          preferred_element_type=jnp.float32)
    sim = jnp.maximum(sim * inv_mn * inv_en, 0.0) * label

    lmax = jnp.max(logits, axis=0, keepdims=True)
    e = jnp.exp(logits - lmax)
    pred = e * (1.0 / jnp.sum(e, axis=0, keepdims=True))
    u_masked = u_row * label
    pred = jnp.clip(pred + ta * u_masked, 1e-4, 1.0)
    s1 = jnp.sum(sim * jnp.log(pred))

    rows = lax.broadcasted_iota(jnp.int32, (_C, _BB), 0)
    is_max = logits == lmax
    amax = jnp.min(jnp.where(is_max, rows, _C), axis=0, keepdims=True)
    onehot = (rows == amax).astype(jnp.float32)
    diff = onehot + u_masked - label
    s2 = jnp.sum(diff * diff)

    a = jnp.sum(logits * label, axis=0, keepdims=True)
    v = -jnp.log(jnp.maximum(u_row, 1e-8))
    mb_a = jnp.max(a)
    zb_a = jnp.sum(jnp.exp(a - mb_a))
    mb_v = jnp.max(v)
    ev = jnp.exp(v - mb_v)
    zb_v = jnp.sum(ev)
    wb = jnp.sum(ev * (v - a))

    @pl.when(i == 0)
    def _init():
        acc_ref[0] = s1
        acc_ref[1] = s2
        acc_ref[2] = mb_a
        acc_ref[3] = zb_a
        acc_ref[4] = mb_v
        acc_ref[5] = zb_v
        acc_ref[6] = wb

    @pl.when(i > 0)
    def _merge():
        acc_ref[0] += s1
        acc_ref[1] += s2
        m_a = acc_ref[2]
        nm_a = jnp.maximum(m_a, mb_a)
        acc_ref[3] = acc_ref[3] * _vexp(m_a - nm_a) + zb_a * _vexp(mb_a - nm_a)
        acc_ref[2] = nm_a
        m_v = acc_ref[4]
        nm_v = jnp.maximum(m_v, mb_v)
        sc_old = _vexp(m_v - nm_v)
        sc_new = _vexp(mb_v - nm_v)
        acc_ref[5] = acc_ref[5] * sc_old + zb_v * sc_new
        acc_ref[6] = acc_ref[6] * sc_old + wb * sc_new
        acc_ref[4] = nm_v

    @pl.when(i == _NB - 1)
    def _finalize():
        inv_b = 1.0 / _B
        l1 = -acc_ref[0] * inv_b
        l2 = acc_ref[1] * inv_b
        log_za = _vlog(acc_ref[3])
        log_zv = _vlog(acc_ref[5])
        kl = (acc_ref[6] / acc_ref[5]
              - (acc_ref[4] + log_zv) + (acc_ref[2] + log_za))
        l3 = (1.0 - ta) * kl * inv_b
        o0_ref[0] = l1 + l2 + l3
        o1_ref[0] = l1
        o2_ref[0] = l2
        o3_ref[0] = l3


def _dense(ta1, logits_t, label_t, emb, mv, u_b):
    return pl.pallas_call(
        _dense_body,
        grid=(_NB,),
        in_specs=[
            pl.BlockSpec(memory_space=pltpu.SMEM),
            pl.BlockSpec((_C, _BB), lambda i: (0, i)),
            pl.BlockSpec((_C, _BB), lambda i: (0, i)),
            pl.BlockSpec((_BB, _D), lambda i: (i, 0)),
            pl.BlockSpec((_C, _D), lambda i: (0, 0)),
            pl.BlockSpec((_BB,), lambda i: (i,)),
        ],
        out_specs=[pl.BlockSpec(memory_space=pltpu.SMEM)] * 4,
        out_shape=[jax.ShapeDtypeStruct((1,), jnp.float32)] * 4,
        scratch_shapes=[pltpu.SMEM((8,), jnp.float32)],
    )(ta1, logits_t, label_t, emb, mv, u_b)


def kernel(batch_indices, model_logits, label_onehot, embeddings_detached,
           training_accuracy, u, prevSimilarity, masterVector):
    idx = batch_indices.astype(jnp.int32)
    u_b = _gather_u(u.reshape(-1), idx)
    o0, o1, o2, o3 = _dense(
        training_accuracy.reshape(1),
        model_logits.T,
        label_onehot.T,
        embeddings_detached,
        masterVector,
        u_b,
    )
    return (o0[0], o1[0], o2[0], o3[0])

# --- scband reference (transcript-rebuilt; emitter-appended) ---
"""Pipeline reference for scband-graph-centroid-outlier-discounting-28698971471898 (READ-ONLY COPY).

The authoritative reference and input builder live on the scoring server;
editing this copy changes nothing except your own understanding.
"""

import jax, jax.numpy as jnp
import numpy as np

NUM_CLASSES = 40
NUM_SAMPLES = 100000
EMB_DIM = 256
BATCH = 16384


def setup_inputs(seed: int = 0) -> dict:
    key = jax.random.key(seed)
    k1, k2, k3, k4, k5, k6, k7, k8 = jax.random.split(key, 8)
    batch_indices = jax.random.randint(k1, (BATCH,), 0, NUM_SAMPLES)
    model_logits = jax.random.normal(k2, (BATCH, NUM_CLASSES), dtype=jnp.float32)
    label_onehot = jax.random.uniform(k3, (BATCH, NUM_CLASSES), dtype=jnp.float32)
    embeddings_detached = jax.random.normal(k4, (BATCH, EMB_DIM), dtype=jnp.float32)
    training_accuracy = jax.random.uniform(k5, (), dtype=jnp.float32)
    # learned parameter u: normal(mean=1e-8, std=1e-9)
    u = jax.random.normal(k6, (NUM_SAMPLES, 1), dtype=jnp.float32) * 1e-9 + 1e-8
    # buffers
    prevSimilarity = jax.random.uniform(k7, (NUM_SAMPLES, EMB_DIM), dtype=jnp.float32)
    masterVector = jax.random.uniform(k8, (NUM_CLASSES, EMB_DIM), dtype=jnp.float32)
    return {
        'batch_indices': batch_indices,
        'model_logits': model_logits,
        'label_onehot': label_onehot,
        'embeddings_detached': embeddings_detached,
        'training_accuracy': training_accuracy,
        'u': u,
        'prevSimilarity': prevSimilarity,
        'masterVector': masterVector,
    }


def reference(batch_indices, model_logits, label_onehot, embeddings_detached, training_accuracy, u, prevSimilarity, masterVector):
    # buffer update (scatter-overwrite, no grad): prevSimilarity[batch_indices] = embeddings
    prevSimilarity = prevSimilarity.at[batch_indices].set(embeddings_detached)

    u_b = u[batch_indices]  # gather [B, 1]
    u_masked = u_b * label_onehot  # [B, C]

    # ---- L1: soft-label CE with uncertainty-adjusted predictions ----
    eps = 1e-4
    mv_norm = jnp.clip(jnp.linalg.norm(masterVector, axis=1, keepdims=True), 1e-8, None)
    mv_t = (masterVector / mv_norm).T
    out_norm = jnp.clip(jnp.linalg.norm(embeddings_detached, axis=1, keepdims=True), 1e-8, None)
    out_normalized = embeddings_detached / out_norm
    similarity = out_normalized @ mv_t
    similarity = similarity * label_onehot
    similarity = similarity * (similarity > 0.0).astype(jnp.float32)
    prediction = jax.nn.softmax(model_logits, axis=1)
    prediction = jnp.clip(prediction + training_accuracy * jax.lax.stop_gradient(u_masked), eps, 1.0)
    loss_l1 = jnp.mean(-jnp.sum(similarity * jnp.log(prediction), axis=1))

    # ---- L2: MSE between (predicted onehot + u) and true labels ----
    pred_onehot = jax.nn.one_hot(jnp.argmax(jax.lax.stop_gradient(model_logits), axis=1), NUM_CLASSES, dtype=jnp.float32)
    loss_l2 = jnp.sum((pred_onehot + u_masked - label_onehot) ** 2) / label_onehot.shape[0]

    # ---- L3: batch-wide KL(alignment || uncertainty) ----
    alignment = jnp.sum(model_logits * label_onehot, axis=1)
    u_det = jax.lax.stop_gradient(u_b).reshape(-1)
    log_q = jax.nn.log_softmax(alignment, axis=0)
    p = jax.nn.softmax(-jnp.log(jnp.clip(u_det, 1e-8, None)), axis=0)
    kl = jnp.sum(p * (jnp.log(p) - log_q)) / alignment.shape[0]
    loss_l3 = (1.0 - training_accuracy) * kl

    total_loss = loss_l1 + loss_l2 + loss_l3
    return (total_loss, loss_l1, loss_l2, loss_l3)

if __name__ == "__main__":
    import jax
    _d = setup_inputs()
    print(jax.jit(kernel)(*tuple(_d.values())))

</pallas_src>

<mosaic_0001>
#map = affine_map<(d0, d1) -> (0)>
module attributes {stable_mosaic.version = 14 : i64} {
  func.func @k(%arg0: i32, %arg1: i32, %arg2: memref<100000xf32, #tpu.memory_space<hbm>>, %arg3: memref<16384xi32, #tpu.memory_space<hbm>>, %arg4: memref<16384xf32, #tpu.memory_space<hbm>>, %arg5: memref<512xi32, #tpu.memory_space<vmem>>, %arg6: memref<512xf32, #tpu.memory_space<vmem>>, %arg7: memref<!tpu.dma_semaphore, #tpu.memory_space<semaphore_mem>>) attributes {dimension_semantics = [#tpu.dimension_semantics<core_parallel>, #tpu.dimension_semantics<subcore_parallel>], iteration_bounds = array<i64: 2, 16>, scalar_prefetch = 0 : i64, scratch_operands = 3 : i64, tpu.core_type = #tpu.core_type<sc_vector_subcore>, window_params = [{transform_indices = #map}, {transform_indices = #map}, {transform_indices = #map}]} {
    %mul3A = arith.constant 2 : i32
    %mul3A_0 = arith.muli %arg1, %mul3A : i32
    %add3A = arith.addi %mul3A_0, %arg0 : i32
    %mul3A_1 = arith.constant 512 : i32
    %mul3A_2 = arith.muli %add3A, %mul3A_1 : i32
    "tpu.region"() ({
      %run_scoped3A = tpu.sem_alloc : memref<!tpu.dma_semaphore, #tpu.memory_space<semaphore_mem>>
      %dma_start3A_5 = tpu.memref_slice %arg3[%mul3A_2] : memref<16384xi32, #tpu.memory_space<hbm>> -> memref<512xi32, #tpu.memory_space<hbm>>
      %dma_start3A_6 = tpu.memref_slice %arg3[%mul3A_2] : memref<16384xi32, #tpu.memory_space<hbm>> -> memref<512xi32, #tpu.memory_space<hbm>>
      tpu.enqueue_dma source(%dma_start3A_6 : memref<512xi32, #tpu.memory_space<hbm>>) target(%arg5 : memref<512xi32, #tpu.memory_space<vmem>>) target_semaphore(%run_scoped3A : memref<!tpu.dma_semaphore, #tpu.memory_space<semaphore_mem>>)
      %dma_wait3A_7 = tpu.memref_slice %arg3[%mul3A_2] : memref<16384xi32, #tpu.memory_space<hbm>> -> memref<512xi32, #tpu.memory_space<hbm>>
      %dma_wait3A_8 = tpu.memref_slice %arg3[%mul3A_2] : memref<16384xi32, #tpu.memory_space<hbm>> -> memref<512xi32, #tpu.memory_space<hbm>>
      tpu.wait_dma2 semaphore(%run_scoped3A : memref<!tpu.dma_semaphore, #tpu.memory_space<semaphore_mem>>) src(%dma_wait3A_8 : memref<512xi32, #tpu.memory_space<hbm>>) dst(%arg5 : memref<512xi32, #tpu.memory_space<vmem>>)
      tpu.yield
    }) : () -> ()
    %dma_start3A = arith.constant 0 : i32
    %dma_start3A_3 = tpu.memref_slice %arg2[%dma_start3A] : memref<100000xf32, #tpu.memory_space<hbm>> -> memref<100000xf32, #tpu.memory_space<hbm>>
    tpu.enqueue_indirect_dma source(%dma_start3A_3 : memref<100000xf32, #tpu.memory_space<hbm>>) target(%arg6 : memref<512xf32, #tpu.memory_space<vmem>>) offsets(%arg5 : memref<512xi32, #tpu.memory_space<vmem>>) semaphore(%arg7 : memref<!tpu.dma_semaphore, #tpu.memory_space<semaphore_mem>>)
    %dma_wait3A = arith.constant 0 : i32
    %dma_wait3A_4 = tpu.memref_slice %arg2[%dma_wait3A] : memref<100000xf32, #tpu.memory_space<hbm>> -> memref<100000xf32, #tpu.memory_space<hbm>>
    tpu.wait_indirect_dma semaphore(%arg7 : memref<!tpu.dma_semaphore, #tpu.memory_space<semaphore_mem>>) src(%dma_wait3A_4 : memref<100000xf32, #tpu.memory_space<hbm>>) dst(%arg6 : memref<512xf32, #tpu.memory_space<vmem>>)
    "tpu.region"() ({
      %run_scoped3A = tpu.sem_alloc : memref<!tpu.dma_semaphore, #tpu.memory_space<semaphore_mem>>
      %dma_start3A_5 = tpu.memref_slice %arg4[%mul3A_2] : memref<16384xf32, #tpu.memory_space<hbm>> -> memref<512xf32, #tpu.memory_space<hbm>>
      %dma_start3A_6 = tpu.memref_slice %arg4[%mul3A_2] : memref<16384xf32, #tpu.memory_space<hbm>> -> memref<512xf32, #tpu.memory_space<hbm>>
      tpu.enqueue_dma source(%arg6 : memref<512xf32, #tpu.memory_space<vmem>>) target(%dma_start3A_6 : memref<512xf32, #tpu.memory_space<hbm>>) target_semaphore(%run_scoped3A : memref<!tpu.dma_semaphore, #tpu.memory_space<semaphore_mem>>)
      %dma_wait3A_7 = tpu.memref_slice %arg4[%mul3A_2] : memref<16384xf32, #tpu.memory_space<hbm>> -> memref<512xf32, #tpu.memory_space<hbm>>
      %dma_wait3A_8 = tpu.memref_slice %arg4[%mul3A_2] : memref<16384xf32, #tpu.memory_space<hbm>> -> memref<512xf32, #tpu.memory_space<hbm>>
      tpu.wait_dma2 semaphore(%run_scoped3A : memref<!tpu.dma_semaphore, #tpu.memory_space<semaphore_mem>>) src(%arg6 : memref<512xf32, #tpu.memory_space<vmem>>) dst(%dma_wait3A_8 : memref<512xf32, #tpu.memory_space<hbm>>)
      tpu.yield
    }) : () -> ()
    return
  }
}

module attributes {stable_mosaic.version = 14 : i64} {
  func.func @_dense_body(%arg0: i32, %arg1: memref<1xf32, #tpu.memory_space<smem>>, %arg2: memref<40x4096xf32, #tpu.memory_space<vmem>>, %arg3: memref<40x4096xf32, #tpu.memory_space<vmem>>, %arg4: memref<4096x256xf32, #tpu.memory_space<vmem>>, %arg5: memref<40x256xf32, #tpu.memory_space<vmem>>, %arg6: memref<4096xf32, #tpu.memory_space<vmem>>, %arg7: memref<1xf32, #tpu.memory_space<smem>>, %arg8: memref<1xf32, #tpu.memory_space<smem>>, %arg9: memref<1xf32, #tpu.memory_space<smem>>, %arg10: memref<1xf32, #tpu.memory_space<smem>>, %arg11: memref<8xf32, #tpu.memory_space<smem>>) attributes {dimension_semantics = [#tpu.dimension_semantics<arbitrary>], iteration_bounds = array<i64: 4>, scalar_prefetch = 0 : i64, scratch_operands = 1 : i64, tpu.core_type = #tpu.core_type<tc>, window_params = [{transform_indices = @transform_0, window_bounds = array<i64: 1>}, {transform_indices = @transform_1, window_bounds = array<i64: 40, 4096>}, {transform_indices = @transform_2, window_bounds = array<i64: 40, 4096>}, {transform_indices = @transform_3, window_bounds = array<i64: 4096, 256>}, {pipeline_mode = #tpu.pipeline_mode<synchronous>, transform_indices = @transform_4, window_bounds = array<i64: 40, 256>}, {transform_indices = @transform_5, window_bounds = array<i64: 4096>}, {transform_indices = @transform_6, window_bounds = array<i64: 1>}, {transform_indices = @transform_7, window_bounds = array<i64: 1>}, {transform_indices = @transform_8, window_bounds = array<i64: 1>}, {transform_indices = @transform_9, window_bounds = array<i64: 1>}]} {
    %get3A = arith.constant 0 : index
    %get3A_0 = memref.load %arg1[%get3A] : memref<1xf32, #tpu.memory_space<smem>>
    %get3A_1 = arith.constant 0 : index
    %get3A_2 = arith.constant 0 : index
    %get3A_3 = vector.load %arg2[%get3A_1, %get3A_2] : memref<40x4096xf32, #tpu.memory_space<vmem>>, vector<40x4096xf32>
    %get3A_4 = arith.constant 0 : index
    %get3A_5 = arith.constant 0 : index
    %get3A_6 = vector.load %arg3[%get3A_4, %get3A_5] : memref<40x4096xf32, #tpu.memory_space<vmem>>, vector<40x4096xf32>
    %get3A_7 = arith.constant 0 : index
    %get3A_8 = arith.constant 0 : index
    %get3A_9 = vector.load %arg4[%get3A_7, %get3A_8] : memref<4096x256xf32, #tpu.memory_space<vmem>>, vector<4096x256xf32>
    %get3A_10 = arith.constant 0 : index
    %get3A_11 = arith.constant 0 : index
    %get3A_12 = vector.load %arg5[%get3A_10, %get3A_11] : memref<40x256xf32, #tpu.memory_space<vmem>>, vector<40x256xf32>
    %get3A_13 = arith.constant 0 : index
    %get3A_14 = vector.load %arg6[%get3A_13] : memref<4096xf32, #tpu.memory_space<vmem>>, vector<4096xf32>
    %reshape3A = vector.shape_cast %get3A_14 : vector<4096xf32> to vector<1x4096xf32>
    %mul3A = arith.mulf %get3A_9, %get3A_9 : vector<4096x256xf32>
    %broadcast_in_dim3A = arith.constant 1.000000e+00 : f32
    %broadcast_in_dim3A_15 = vector.broadcast %broadcast_in_dim3A : f32 to vector<1x256xf32>
    %dot_general3A = arith.constant dense<0.000000e+00> : vector<1x4096xf32>
    %dot_general3A_16 = tpu.matmul %broadcast_in_dim3A_15, %mul3A, %dot_general3A {dimension_numbers = #tpu.dot_dimension_numbers<[1], [1], [0], [0], [0, 0, 1, 0], [], []>, transpose_lhs_hint = false} : vector<1x256xf32>, vector<4096x256xf32>, vector<1x4096xf32> -> vector<1x4096xf32>
    %max3A = arith.constant 1.000000e-16 : f32
    %max3A_17 = vector.broadcast %max3A : f32 to vector<1x4096xf32>
    %max3A_18 = arith.maximumf %dot_general3A_16, %max3A_17 : vector<1x4096xf32>
    %rsqrt3A = math.rsqrt %max3A_18 : vector<1x4096xf32>
    %mul3A_19 = arith.mulf %get3A_12, %get3A_12 : vector<40x256xf32>
    %reduce_sum3A = arith.constant dense<0.000000e+00> : vector<40xf32>
    %reduce_sum3A_20 = vector.multi_reduction <add>, %mul3A_19, %reduce_sum3A [1] : vector<40x256xf32> to vector<40xf32>
    %broadcast_in_dim3A_21 = vector.shape_cast %reduce_sum3A_20 : vector<40xf32> to vector<40x1xf32>
    %max3A_22 = arith.constant 1.000000e-16 : f32
    %max3A_23 = vector.broadcast %max3A_22 : f32 to vector<40x1xf32>
    %max3A_24 = arith.maximumf %broadcast_in_dim3A_21, %max3A_23 : vector<40x1xf32>
    %rsqrt3A_25 = math.rsqrt %max3A_24 : vector<40x1xf32>
    %dot_general3A_26 = arith.constant dense<0.000000e+00> : vector<40x4096xf32>
    %dot_general3A_27 = tpu.matmul %get3A_12, %get3A_9, %dot_general3A_26 {dimension_numbers = #tpu.dot_dimension_numbers<[1], [1], [0], [0], [0, 0, 1, 0], [], []>, transpose_lhs_hint = false} : vector<40x256xf32>, vector<4096x256xf32>, vector<40x4096xf32> -> vector<40x4096xf32>
    %mul3A_28 = vector.broadcast %rsqrt3A_25 : vector<40x1xf32> to vector<40x4096xf32>
    %mul3A_29 = arith.mulf %dot_general3A_27, %mul3A_28 : vector<40x4096xf32>
    %mul3A_30 = vector.broadcast %rsqrt3A : vector<1x4096xf32> to vector<40x4096xf32>
    %mul3A_31 = arith.mulf %mul3A_29, %mul3A_30 : vector<40x4096xf32>
    %max3A_32 = arith.constant 0.000000e+00 : f32
    %max3A_33 = vector.broadcast %max3A_32 : f32 to vector<40x4096xf32>
    %max3A_34 = arith.maximumf %mul3A_31, %max3A_33 : vector<40x4096xf32>
    %mul3A_35 = arith.mulf %max3A_34, %get3A_6 : vector<40x4096xf32>
    %reduce_max3A = arith.constant dense<0xFF800000> : vector<4096xf32>
    %reduce_max3A_36 = vector.multi_reduction <maximumf>, %get3A_3, %reduce_max3A [0] : vector<40x4096xf32> to vector<4096xf32>
    %broadcast_in_dim3A_37 = vector.shape_cast %reduce_max3A_36 : vector<4096xf32> to vector<1x4096xf32>
    %sub3A = vector.broadcast %broadcast_in_dim3A_37 : vector<1x4096xf32> to vector<40x4096xf32>
    %sub3A_38 = arith.subf %get3A_3, %sub3A : vector<40x4096xf32>
    %exp3A = math.exp %sub3A_38 : vector<40x4096xf32>
    %reduce_sum3A_39 = arith.constant dense<0.000000e+00> : vector<4096xf32>
    %reduce_sum3A_40 = vector.multi_reduction <add>, %exp3A, %reduce_sum3A_39 [0] : vector<40x4096xf32> to vector<4096xf32>
    %broadcast_in_dim3A_41 = vector.shape_cast %reduce_sum3A_40 : vector<4096xf32> to vector<1x4096xf32>
    %div3A = arith.constant 1.000000e+00 : f32
    %div3A_42 = vector.broadcast %div3A : f32 to vector<1x4096xf32>
    %div3A_43 = arith.divf %div3A_42, %broadcast_in_dim3A_41 : vector<1x4096xf32>
    %mul3A_44 = vector.broadcast %div3A_43 : vector<1x4096xf32> to vector<40x4096xf32>
    %mul3A_45 = arith.mulf %exp3A, %mul3A_44 : vector<40x4096xf32>
    %mul3A_46 = vector.broadcast %reshape3A : vector<1x4096xf32> to vector<40x4096xf32>
    %mul3A_47 = arith.mulf %mul3A_46, %get3A_6 : vector<40x4096xf32>
    %mul3A_48 = vector.broadcast %get3A_0 : f32 to vector<40x4096xf32>
    %mul3A_49 = arith.mulf %mul3A_48, %mul3A_47 : vector<40x4096xf32>
    %add3A = arith.addf %mul3A_45, %mul3A_49 : vector<40x4096xf32>
    %jit3A = arith.constant 9.99999974E-5 : f32
    %jit3A_50 = arith.constant 1.000000e+00 : f32
    %max3A_51 = vector.broadcast %jit3A : f32 to vector<40x4096xf32>
    %max3A_52 = arith.maximumf %max3A_51, %add3A : vector<40x4096xf32>
    %min3A = vector.broadcast %jit3A_50 : f32 to vector<40x4096xf32>
    %min3A_53 = arith.minimumf %min3A, %max3A_52 : vector<40x4096xf32>
    %log3A = math.log %min3A_53 : vector<40x4096xf32>
    %mul3A_54 = arith.mulf %mul3A_35, %log3A : vector<40x4096xf32>
    %reduce_sum3A_55 = vector.shape_cast %mul3A_54 : vector<40x4096xf32> to vector<1x40x4096xf32>
    %reduce_sum3A_56 = arith.constant dense<0.000000e+00> : vector<1xf32>
    %reduce_sum3A_57 = vector.multi_reduction <add>, %reduce_sum3A_55, %reduce_sum3A_56 [1, 2] : vector<1x40x4096xf32> to vector<1xf32>
    %reduce_sum3A_58 = vector.shape_cast %reduce_sum3A_57 : vector<1xf32> to vector<1x1x1xf32>
    %reduce_sum3A_59 = vector.extract %reduce_sum3A_58[0, 0, 0] : f32 from vector<1x1x1xf32>
    %iota3A = tpu.iota {dimensions = array<i32: 0>} : vector<40x4096xi32>
    %eq3A = vector.broadcast %broadcast_in_dim3A_37 : vector<1x4096xf32> to vector<40x4096xf32>
    %eq3A_60 = arith.cmpf oeq, %get3A_3, %eq3A : vector<40x4096xf32>
    %jit3A_61 = arith.constant 40 : i32
    %broadcast_in_dim3A_62 = vector.broadcast %jit3A_61 : i32 to vector<40x4096xi32>
    %select_n3A = arith.select %eq3A_60, %iota3A, %broadcast_in_dim3A_62 : vector<40x4096xi1>, vector<40x4096xi32>
    %reduce_min3A = arith.constant dense<2147483647> : vector<4096xi32>
    %reduce_min3A_63 = vector.multi_reduction <minsi>, %select_n3A, %reduce_min3A [0] : vector<40x4096xi32> to vector<4096xi32>
    %broadcast_in_dim3A_64 = vector.shape_cast %reduce_min3A_63 : vector<4096xi32> to vector<1x4096xi32>
    %eq3A_65 = vector.broadcast %broadcast_in_dim3A_64 : vector<1x4096xi32> to vector<40x4096xi32>
    %eq3A_66 = arith.cmpi eq, %iota3A, %eq3A_65 : vector<40x4096xi32>
    %convert_element_type3A = arith.extui %eq3A_66 : vector<40x4096xi1> to vector<40x4096xi32>
    %convert_element_type3A_67 = arith.sitofp %convert_element_type3A : vector<40x4096xi32> to vector<40x4096xf32>
    %add3A_68 = arith.addf %convert_element_type3A_67, %mul3A_47 : vector<40x4096xf32>
    %sub3A_69 = arith.subf %add3A_68, %get3A_6 : vector<40x4096xf32>
    %mul3A_70 = arith.mulf %sub3A_69, %sub3A_69 : vector<40x4096xf32>
    %reduce_sum3A_71 = vector.shape_cast %mul3A_70 : vector<40x4096xf32> to vector<1x40x4096xf32>
    %reduce_sum3A_72 = arith.constant dense<0.000000e+00> : vector<1xf32>
    %reduce_sum3A_73 = vector.multi_reduction <add>, %reduce_sum3A_71, %reduce_sum3A_72 [1, 2] : vector<1x40x4096xf32> to vector<1xf32>
    %reduce_sum3A_74 = vector.shape_cast %reduce_sum3A_73 : vector<1xf32> to vector<1x1x1xf32>
    %reduce_sum3A_75 = vector.extract %reduce_sum3A_74[0, 0, 0] : f32 from vector<1x1x1xf32>
    %mul3A_76 = arith.mulf %get3A_3, %get3A_6 : vector<40x4096xf32>
    %reduce_sum3A_77 = arith.constant dense<0.000000e+00> : vector<4096xf32>
    %reduce_sum3A_78 = vector.multi_reduction <add>, %mul3A_76, %reduce_sum3A_77 [0] : vector<40x4096xf32> to vector<4096xf32>
    %broadcast_in_dim3A_79 = vector.shape_cast %reduce_sum3A_78 : vector<4096xf32> to vector<1x4096xf32>
    %max3A_80 = arith.constant 9.99999993E-9 : f32
    %max3A_81 = vector.broadcast %max3A_80 : f32 to vector<1x4096xf32>
    %max3A_82 = arith.maximumf %reshape3A, %max3A_81 : vector<1x4096xf32>
    %log3A_83 = math.log %max3A_82 : vector<1x4096xf32>
    %neg3A = arith.constant 0.000000e+00 : f32
    %neg3A_84 = vector.broadcast %neg3A : f32 to vector<1x4096xf32>
    %neg3A_85 = arith.subf %neg3A_84, %log3A_83 : vector<1x4096xf32>
    %reduce_max3A_86 = vector.shape_cast %broadcast_in_dim3A_79 : vector<1x4096xf32> to vector<1x1x4096xf32>
    %reduce_max3A_87 = arith.constant dense<0xFF800000> : vector<1xf32>
    %reduce_max3A_88 = vector.multi_reduction <maximumf>, %reduce_max3A_86, %reduce_max3A_87 [1, 2] : vector<1x1x4096xf32> to vector<1xf32>
    %reduce_max3A_89 = vector.shape_cast %reduce_max3A_88 : vector<1xf32> to vector<1x1x1xf32>
    %reduce_max3A_90 = vector.extract %reduce_max3A_89[0, 0, 0] : f32 from vector<1x1x1xf32>
    %sub3A_91 = vector.broadcast %reduce_max3A_90 : f32 to vector<1x4096xf32>
    %sub3A_92 = arith.subf %broadcast_in_dim3A_79, %sub3A_91 : vector<1x4096xf32>
    %exp3A_93 = math.exp %sub3A_92 : vector<1x4096xf32>
    %reduce_sum3A_94 = vector.shape_cast %exp3A_93 : vector<1x4096xf32> to vector<1x1x4096xf32>
    %reduce_sum3A_95 = arith.constant dense<0.000000e+00> : vector<1xf32>
    %reduce_sum3A_96 = vector.multi_reduction <add>, %reduce_sum3A_94, %reduce_sum3A_95 [1, 2] : vector<1x1x4096xf32> to vector<1xf32>
    %reduce_sum3A_97 = vector.shape_cast %reduce_sum3A_96 : vector<1xf32> to vector<1x1x1xf32>
    %reduce_sum3A_98 = vector.extract %reduce_sum3A_97[0, 0, 0] : f32 from vector<1x1x1xf32>
    %reduce_max3A_99 = vector.shape_cast %neg3A_85 : vector<1x4096xf32> to vector<1x1x4096xf32>
    %reduce_max3A_100 = arith.constant dense<0xFF800000> : vector<1xf32>
    %reduce_max3A_101 = vector.multi_reduction <maximumf>, %reduce_max3A_99, %reduce_max3A_100 [1, 2] : vector<1x1x4096xf32> to vector<1xf32>
    %reduce_max3A_102 = vector.shape_cast %reduce_max3A_101 : vector<1xf32> to vector<1x1x1xf32>
    %reduce_max3A_103 = vector.extract %reduce_max3A_102[0, 0, 0] : f32 from vector<1x1x1xf32>
    %sub3A_104 = vector.broadcast %reduce_max3A_103 : f32 to vector<1x4096xf32>
    %sub3A_105 = arith.subf %neg3A_85, %sub3A_104 : vector<1x4096xf32>
    %exp3A_106 = math.exp %sub3A_105 : vector<1x4096xf32>
    %reduce_sum3A_107 = vector.shape_cast %exp3A_106 : vector<1x4096xf32> to vector<1x1x4096xf32>
    %reduce_sum3A_108 = arith.constant dense<0.000000e+00> : vector<1xf32>
    %reduce_sum3A_109 = vector.multi_reduction <add>, %reduce_sum3A_107, %reduce_sum3A_108 [1, 2] : vector<1x1x4096xf32> to vector<1xf32>
    %reduce_sum3A_110 = vector.shape_cast %reduce_sum3A_109 : vector<1xf32> to vector<1x1x1xf32>
    %reduce_sum3A_111 = vector.extract %reduce_sum3A_110[0, 0, 0] : f32 from vector<1x1x1xf32>
    %sub3A_112 = arith.subf %neg3A_85, %broadcast_in_dim3A_79 : vector<1x4096xf32>
    %mul3A_113 = arith.mulf %exp3A_106, %sub3A_112 : vector<1x4096xf32>
    %reduce_sum3A_114 = vector.shape_cast %mul3A_113 : vector<1x4096xf32> to vector<1x1x4096xf32>
    %reduce_sum3A_115 = arith.constant dense<0.000000e+00> : vector<1xf32>
    %reduce_sum3A_116 = vector.multi_reduction <add>, %reduce_sum3A_114, %reduce_sum3A_115 [1, 2] : vector<1x1x4096xf32> to vector<1xf32>
    %reduce_sum3A_117 = vector.shape_cast %reduce_sum3A_116 : vector<1xf32> to vector<1x1x1xf32>
    %reduce_sum3A_118 = vector.extract %reduce_sum3A_117[0, 0, 0] : f32 from vector<1x1x1xf32>
    %eq3A_119 = arith.constant 0 : i32
    %eq3A_120 = arith.cmpi eq, %arg0, %eq3A_119 : i32
    %convert_element_type3A_121 = arith.extui %eq3A_120 : i1 to i32
    %cond3A = arith.constant 0 : i32
    %cond3A_122 = arith.cmpi ne, %convert_element_type3A_121, %cond3A : i32
    scf.if %cond3A_122 {
      %swap3A = arith.constant 0 : index
      %swap3A_132 = memref.load %arg11[%swap3A] : memref<8xf32, #tpu.memory_space<smem>>
      memref.store %reduce_sum3A_59, %arg11[%swap3A] : memref<8xf32, #tpu.memory_space<smem>>
      %swap3A_133 = arith.constant 1 : index
      %swap3A_134 = memref.load %arg11[%swap3A_133] : memref<8xf32, #tpu.memory_space<smem>>
      memref.store %reduce_sum3A_75, %arg11[%swap3A_133] : memref<8xf32, #tpu.memory_space<smem>>
      %swap3A_135 = arith.constant 2 : index
      %swap3A_136 = memref.load %arg11[%swap3A_135] : memref<8xf32, #tpu.memory_space<smem>>
      memref.store %reduce_max3A_90, %arg11[%swap3A_135] : memref<8xf32, #tpu.memory_space<smem>>
      %swap3A_137 = arith.constant 3 : index
      %swap3A_138 = memref.load %arg11[%swap3A_137] : memref<8xf32, #tpu.memory_space<smem>>
      memref.store %reduce_sum3A_98, %arg11[%swap3A_137] : memref<8xf32, #tpu.memory_space<smem>>
      %swap3A_139 = arith.constant 4 : index
      %swap3A_140 = memref.load %arg11[%swap3A_139] : memref<8xf32, #tpu.memory_space<smem>>
      memref.store %reduce_max3A_103, %arg11[%swap3A_139] : memref<8xf32, #tpu.memory_space<smem>>
      %swap3A_141 = arith.constant 5 : index
      %swap3A_142 = memref.load %arg11[%swap3A_141] : memref<8xf32, #tpu.memory_space<smem>>
      memref.store %reduce_sum3A_111, %arg11[%swap3A_141] : memref<8xf32, #tpu.memory_space<smem>>
      %swap3A_143 = arith.constant 6 : index
      %swap3A_144 = memref.load %arg11[%swap3A_143] : memref<8xf32, #tpu.memory_space<smem>>
      memref.store %reduce_sum3A_118, %arg11[%swap3A_143] : memref<8xf32, #tpu.memory_space<smem>>
    } else {
    }
    %gt3A = arith.constant 0 : i32
    %gt3A_123 = arith.cmpi sgt, %arg0, %gt3A : i32
    %convert_element_type3A_124 = arith.extui %gt3A_123 : i1 to i32
    %cond3A_125 = arith.constant 0 : i32
    %cond3A_126 = arith.cmpi ne, %convert_element_type3A_124, %cond3A_125 : i32
    scf.if %cond3A_126 {
      %get3A_132 = arith.constant 0 : index
      %get3A_133 = memref.load %arg11[%get3A_132] : memref<8xf32, #tpu.memory_space<smem>>
      %add3A_134 = arith.addf %get3A_133, %reduce_sum3A_59 : f32
      %swap3A = arith.constant 0 : index
      %swap3A_135 = memref.load %arg11[%swap3A] : memref<8xf32, #tpu.memory_space<smem>>
      memref.store %add3A_134, %arg11[%swap3A] : memref<8xf32, #tpu.memory_space<smem>>
      %get3A_136 = arith.constant 1 : index
      %get3A_137 = memref.load %arg11[%get3A_136] : memref<8xf32, #tpu.memory_space<smem>>
      %add3A_138 = arith.addf %get3A_137, %reduce_sum3A_75 : f32
      %swap3A_139 = arith.constant 1 : index
      %swap3A_140 = memref.load %arg11[%swap3A_139] : memref<8xf32, #tpu.memory_space<smem>>
      memref.store %add3A_138, %arg11[%swap3A_139] : memref<8xf32, #tpu.memory_space<smem>>
      %get3A_141 = arith.constant 2 : index
      %get3A_142 = memref.load %arg11[%get3A_141] : memref<8xf32, #tpu.memory_space<smem>>
      %max3A_143 = arith.maximumf %get3A_142, %reduce_max3A_90 : f32
      %get3A_144 = arith.constant 3 : index
      %get3A_145 = memref.load %arg11[%get3A_144] : memref<8xf32, #tpu.memory_space<smem>>
      %sub3A_146 = arith.subf %get3A_142, %max3A_143 : f32
      %broadcast_in_dim3A_147 = vector.broadcast %sub3A_146 : f32 to vector<8x128xf32>
      %exp3A_148 = math.exp %broadcast_in_dim3A_147 : vector<8x128xf32>
      %reduce_max3A_149 = vector.shape_cast %exp3A_148 : vector<8x128xf32> to vector<1x8x128xf32>
      %reduce_max3A_150 = arith.constant dense<0xFF800000> : vector<1xf32>
      %reduce_max3A_151 = vector.multi_reduction <maximumf>, %reduce_max3A_149, %reduce_max3A_150 [1, 2] : vector<1x8x128xf32> to vector<1xf32>
      %reduce_max3A_152 = vector.shape_cast %reduce_max3A_151 : vector<1xf32> to vector<1x1x1xf32>
      %reduce_max3A_153 = vector.extract %reduce_max3A_152[0, 0, 0] : f32 from vector<1x1x1xf32>
      %mul3A_154 = arith.mulf %get3A_145, %reduce_max3A_153 : f32
      %sub3A_155 = arith.subf %reduce_max3A_90, %max3A_143 : f32
      %broadcast_in_dim3A_156 = vector.broadcast %sub3A_155 : f32 to vector<8x128xf32>
      %exp3A_157 = math.exp %broadcast_in_dim3A_156 : vector<8x128xf32>
      %reduce_max3A_158 = vector.shape_cast %exp3A_157 : vector<8x128xf32> to vector<1x8x128xf32>
      %reduce_max3A_159 = arith.constant dense<0xFF800000> : vector<1xf32>
      %reduce_max3A_160 = vector.multi_reduction <maximumf>, %reduce_max3A_158, %reduce_max3A_159 [1, 2] : vector<1x8x128xf32> to vector<1xf32>
      %reduce_max3A_161 = vector.shape_cast %reduce_max3A_160 : vector<1xf32> to vector<1x1x1xf32>
      %reduce_max3A_162 = vector.extract %reduce_max3A_161[0, 0, 0] : f32 from vector<1x1x1xf32>
      %mul3A_163 = arith.mulf %reduce_sum3A_98, %reduce_max3A_162 : f32
      %add3A_164 = arith.addf %mul3A_154, %mul3A_163 : f32
      %swap3A_165 = arith.constant 3 : index
      %swap3A_166 = memref.load %arg11[%swap3A_165] : memref<8xf32, #tpu.memory_space<smem>>
      memref.store %add3A_164, %arg11[%swap3A_165] : memref<8xf32, #tpu.memory_space<smem>>
      %swap3A_167 = arith.constant 2 : index
      %swap3A_168 = memref.load %arg11[%swap3A_167] : memref<8xf32, #tpu.memory_space<smem>>
      memref.store %max3A_143, %arg11[%swap3A_167] : memref<8xf32, #tpu.memory_space<smem>>
      %get3A_169 = arith.constant 4 : index
      %get3A_170 = memref.load %arg11[%get3A_169] : memref<8xf32, #tpu.memory_space<smem>>
      %max3A_171 = arith.maximumf %get3A_170, %reduce_max3A_103 : f32
      %sub3A_172 = arith.subf %get3A_170, %max3A_171 : f32
      %broadcast_in_dim3A_173 = vector.broadcast %sub3A_172 : f32 to vector<8x128xf32>
      %exp3A_174 = math.exp %broadcast_in_dim3A_173 : vector<8x128xf32>
      %reduce_max3A_175 = vector.shape_cast %exp3A_174 : vector<8x128xf32> to vector<1x8x128xf32>
      %reduce_max3A_176 = arith.constant dense<0xFF800000> : vector<1xf32>
      %reduce_max3A_177 = vector.multi_reduction <maximumf>, %reduce_max3A_175, %reduce_max3A_176 [1, 2] : vector<1x8x128xf32> to vector<1xf32>
      %reduce_max3A_178 = vector.shape_cast %reduce_max3A_177 : vector<1xf32> to vector<1x1x1xf32>
      %reduce_max3A_179 = vector.extract %reduce_max3A_178[0, 0, 0] : f32 from vector<1x1x1xf32>
      %sub3A_180 = arith.subf %reduce_max3A_103, %max3A_171 : f32
      %broadcast_in_dim3A_181 = vector.broadcast %sub3A_180 : f32 to vector<8x128xf32>
      %exp3A_182 = math.exp %broadcast_in_dim3A_181 : vector<8x128xf32>
      %reduce_max3A_183 = vector.shape_cast %exp3A_182 : vector<8x128xf32> to vector<1x8x128xf32>
      %reduce_max3A_184 = arith.constant dense<0xFF800000> : vector<1xf32>
      %reduce_max3A_185 = vector.multi_reduction <maximumf>, %reduce_max3A_183, %reduce_max3A_184 [1, 2] : vector<1x8x128xf32> to vector<1xf32>
      %reduce_max3A_186 = vector.shape_cast %reduce_max3A_185 : vector<1xf32> to vector<1x1x1xf32>
      %reduce_max3A_187 = vector.extract %reduce_max3A_186[0, 0, 0] : f32 from vector<1x1x1xf32>
      %get3A_188 = arith.constant 5 : index
      %get3A_189 = memref.load %arg11[%get3A_188] : memref<8xf32, #tpu.memory_space<smem>>
      %mul3A_190 = arith.mulf %get3A_189, %reduce_max3A_179 : f32
      %mul3A_191 = arith.mulf %reduce_sum3A_111, %reduce_max3A_187 : f32
      %add3A_192 = arith.addf %mul3A_190, %mul3A_191 : f32
      %swap3A_193 = arith.constant 5 : index
      %swap3A_194 = memref.load %arg11[%swap3A_193] : memref<8xf32, #tpu.memory_space<smem>>
      memref.store %add3A_192, %arg11[%swap3A_193] : memref<8xf32, #tpu.memory_space<smem>>
      %get3A_195 = arith.constant 6 : index
      %get3A_196 = memref.load %arg11[%get3A_195] : memref<8xf32, #tpu.memory_space<smem>>
      %mul3A_197 = arith.mulf %get3A_196, %reduce_max3A_179 : f32
      %mul3A_198 = arith.mulf %reduce_sum3A_118, %reduce_max3A_187 : f32
      %add3A_199 = arith.addf %mul3A_197, %mul3A_198 : f32
      %swap3A_200 = arith.constant 6 : index
      %swap3A_201 = memref.load %arg11[%swap3A_200] : memref<8xf32, #tpu.memory_space<smem>>
      memref.store %add3A_199, %arg11[%swap3A_200] : memref<8xf32, #tpu.memory_space<smem>>
      %swap3A_202 = arith.constant 4 : index
      %swap3A_203 = memref.load %arg11[%swap3A_202] : memref<8xf32, #tpu.memory_space<smem>>
      memref.store %max3A_171, %arg11[%swap3A_202] : memref<8xf32, #tpu.memory_space<smem>>
    } else {
    }
    %eq3A_127 = arith.constant 3 : i32
    %eq3A_128 = arith.cmpi eq, %arg0, %eq3A_127 : i32
    %convert_element_type3A_129 = arith.extui %eq3A_128 : i1 to i32
    %cond3A_130 = arith.constant 0 : i32
    %cond3A_131 = arith.cmpi ne, %convert_element_type3A_129, %cond3A_130 : i32
    scf.if %cond3A_131 {
      %get3A_132 = arith.constant 0 : index
      %get3A_133 = memref.load %arg11[%get3A_132] : memref<8xf32, #tpu.memory_space<smem>>
      %neg3A_134 = arith.constant 0.000000e+00 : f32
      %neg3A_135 = arith.subf %neg3A_134, %get3A_133 : f32
      %mul3A_136 = arith.constant 6.10351563E-5 : f32
      %mul3A_137 = arith.mulf %neg3A_135, %mul3A_136 : f32
      %get3A_138 = arith.constant 1 : index
      %get3A_139 = memref.load %arg11[%get3A_138] : memref<8xf32, #tpu.memory_space<smem>>
      %mul3A_140 = arith.constant 6.10351563E-5 : f32
      %mul3A_141 = arith.mulf %get3A_139, %mul3A_140 : f32
      %get3A_142 = arith.constant 3 : index
      %get3A_143 = memref.load %arg11[%get3A_142] : memref<8xf32, #tpu.memory_space<smem>>
      %broadcast_in_dim3A_144 = vector.broadcast %get3A_143 : f32 to vector<8x128xf32>
      %log3A_145 = math.log %broadcast_in_dim3A_144 : vector<8x128xf32>
      %reduce_max3A_146 = vector.shape_cast %log3A_145 : vector<8x128xf32> to vector<1x8x128xf32>
      %reduce_max3A_147 = arith.constant dense<0xFF800000> : vector<1xf32>
      %reduce_max3A_148 = vector.multi_reduction <maximumf>, %reduce_max3A_146, %reduce_max3A_147 [1, 2] : vector<1x8x128xf32> to vector<1xf32>
      %reduce_max3A_149 = vector.shape_cast %reduce_max3A_148 : vector<1xf32> to vector<1x1x1xf32>
      %reduce_max3A_150 = vector.extract %reduce_max3A_149[0, 0, 0] : f32 from vector<1x1x1xf32>
      %get3A_151 = arith.constant 5 : index
      %get3A_152 = memref.load %arg11[%get3A_151] : memref<8xf32, #tpu.memory_space<smem>>
      %broadcast_in_dim3A_153 = vector.broadcast %get3A_152 : f32 to vector<8x128xf32>
      %log3A_154 = math.log %broadcast_in_dim3A_153 : vector<8x128xf32>
      %reduce_max3A_155 = vector.shape_cast %log3A_154 : vector<8x128xf32> to vector<1x8x128xf32>
      %reduce_max3A_156 = arith.constant dense<0xFF800000> : vector<1xf32>
      %reduce_max3A_157 = vector.multi_reduction <maximumf>, %reduce_max3A_155, %reduce_max3A_156 [1, 2] : vector<1x8x128xf32> to vector<1xf32>
      %reduce_max3A_158 = vector.shape_cast %reduce_max3A_157 : vector<1xf32> to vector<1x1x1xf32>
      %reduce_max3A_159 = vector.extract %reduce_max3A_158[0, 0, 0] : f32 from vector<1x1x1xf32>
      %get3A_160 = arith.constant 6 : index
      %get3A_161 = memref.load %arg11[%get3A_160] : memref<8xf32, #tpu.memory_space<smem>>
      %get3A_162 = arith.constant 5 : index
      %get3A_163 = memref.load %arg11[%get3A_162] : memref<8xf32, #tpu.memory_space<smem>>
      %div3A_164 = arith.divf %get3A_161, %get3A_163 : f32
      %get3A_165 = arith.constant 4 : index
      %get3A_166 = memref.load %arg11[%get3A_165] : memref<8xf32, #tpu.memory_space<smem>>
      %add3A_167 = arith.addf %get3A_166, %reduce_max3A_159 : f32
      %sub3A_168 = arith.subf %div3A_164, %add3A_167 : f32
      %get3A_169 = arith.constant 2 : index
      %get3A_170 = memref.load %arg11[%get3A_169] : memref<8xf32, #tpu.memory_space<smem>>
      %add3A_171 = arith.addf %get3A_170, %reduce_max3A_150 : f32
      %add3A_172 = arith.addf %sub3A_168, %add3A_171 : f32
      %sub3A_173 = arith.constant 1.000000e+00 : f32
      %sub3A_174 = arith.subf %sub3A_173, %get3A_0 : f32
      %mul3A_175 = arith.mulf %sub3A_174, %add3A_172 : f32
      %mul3A_176 = arith.constant 6.10351563E-5 : f32
      %mul3A_177 = arith.mulf %mul3A_175, %mul3A_176 : f32
      %add3A_178 = arith.addf %mul3A_137, %mul3A_141 : f32
      %add3A_179 = arith.addf %add3A_178, %mul3A_177 : f32
      %swap3A = arith.constant 0 : index
      %swap3A_180 = memref.load %arg7[%swap3A] : memref<1xf32, #tpu.memory_space<smem>>
      memref.store %add3A_179, %arg7[%swap3A] : memref<1xf32, #tpu.memory_space<smem>>
      %swap3A_181 = arith.constant 0 : index
      %swap3A_182 = memref.load %arg8[%swap3A_181] : memref<1xf32, #tpu.memory_space<smem>>
      memref.store %mul3A_137, %arg8[%swap3A_181] : memref<1xf32, #tpu.memory_space<smem>>
      %swap3A_183 = arith.constant 0 : index
      %swap3A_184 = memref.load %arg9[%swap3A_183] : memref<1xf32, #tpu.memory_space<smem>>
      memref.store %mul3A_141, %arg9[%swap3A_183] : memref<1xf32, #tpu.memory_space<smem>>
      %swap3A_185 = arith.constant 0 : index
      %swap3A_186 = memref.load %arg10[%swap3A_185] : memref<1xf32, #tpu.memory_space<smem>>
      memref.store %mul3A_177, %arg10[%swap3A_185] : memref<1xf32, #tpu.memory_space<smem>>
    } else {
    }
    return
  }
  func.func @transform_0(%arg0: i32) -> i32 {
    %c0_i32 = arith.constant 0 : i32
    %c0_i32_0 = arith.constant 0 : i32
    return %c0_i32 : i32
  }
  func.func @transform_1(%arg0: i32) -> (i32, i32) {
    %c0_i32 = arith.constant 0 : i32
    %c0_i32_0 = arith.constant 0 : i32
    return %c0_i32, %arg0 : i32, i32
  }
  func.func @transform_2(%arg0: i32) -> (i32, i32) {
    %c0_i32 = arith.constant 0 : i32
    %c0_i32_0 = arith.constant 0 : i32
    return %c0_i32, %arg0 : i32, i32
  }
  func.func @transform_3(%arg0: i32) -> (i32, i32) {
    %c0_i32 = arith.constant 0 : i32
    %c0_i32_0 = arith.constant 0 : i32
    return %arg0, %c0_i32 : i32, i32
  }
  func.func @transform_4(%arg0: i32) -> (i32, i32) {
    %c0_i32 = arith.constant 0 : i32
    %c0_i32_0 = arith.constant 0 : i32
    %c0_i32_1 = arith.constant 0 : i32
    return %c0_i32, %c0_i32_0 : i32, i32
  }
  func.func @transform_5(%arg0: i32) -> i32 {
    %c0_i32 = arith.constant 0 : i32
    return %arg0 : i32
  }
  func.func @transform_6(%arg0: i32) -> i32 {
    %c0_i32 = arith.constant 0 : i32
    %c0_i32_0 = arith.constant 0 : i32
    return %c0_i32 : i32
  }
  func.func @transform_7(%arg0: i32) -> i32 {
    %c0_i32 = arith.constant 0 : i32
    %c0_i32_0 = arith.constant 0 : i32
    return %c0_i32 : i32
  }
  func.func @transform_8(%arg0: i32) -> i32 {
    %c0_i32 = arith.constant 0 : i32
    %c0_i32_0 = arith.constant 0 : i32
    return %c0_i32 : i32
  }
  func.func @transform_9(%arg0: i32) -> i32 {
    %c0_i32 = arith.constant 0 : i32
    %c0_i32_0 = arith.constant 0 : i32
    return %c0_i32 : i32
  }
}

</mosaic_0001>

<sc_bundles>
// kernel: kernel.4.cloned.1.call-start
scs
__scs_entry_jumppad:
0x0: {  	(pc) =	sbr.rel $0x88, $3  }
0x1: {  	(tag) =	ssettag $0x0;
	lr =	simm.s32 $0x1  }
0x2: {  	[smem:$0x3F9A] =	sst lr;
	_ =	strace $0xD0000000  }
0x3: {  	_ = 	snop  }
0x4: {  	_ = 	snop  }
0x5: {  	_ = 	snop  }
0x6: {  	_ = 	snop  }
0x7: {  	_ = 	snop  }
__scs_overlays_trampoline_lowered:
0x8: {  	[smem:$0x3FA9] =	sst s0  }
0x9: {  	[smem:$0x3FAA] =	sst s1  }
0xa: {  	[smem:$0x3FAB] =	sst s2  }
0xb: {  	[smem:$0x3FAC] =	sst s3  }
0xc: {  	[smem:$0x3FAD] =	sst s4  }
0xd: {  	[smem:$0x3FAE] =	sst s5  }
0xe: {  	[smem:$0x3FAF] =	sst s6  }
0xf: {  	[smem:$0x3FB0] =	sst s7  }
0x10: {  	[smem:$0x3FB1] =	sst s8  }
0x11: {  	[smem:$0x3FB2] =	sst s9;
	s0 =	simm.s32 @!p0 $0x0  }
0x12: {  	s1 =	sld [smem:$0x3F98];
	s0 =	simm.s32 @p0 $0x1  }
0x13: {  	[smem:$0x3FB3] =	sst s0;
	s0 =	simm.s32 @!p1 $0x0  }
0x14: {  	s2 =	sld [smem:$0x3F97];
	s0 =	simm.s32 @p1 $0x1  }
0x15: {  	[smem:$0x3FB4] =	sst s0;
	s0 =	simm.s32 @!p2 $0x0  }
0x16: {  	s3 =	sld [smem:$0x3FDB];
	s0 =	simm.s32 @p2 $0x1  }
0x17: {  	s4 =	simm.s32 $0x1BF5;
	[smem:$0x3FB6] =	sst s0  }
0x18: {  	s0 =	sld [smem:$0x3F99];
	_ =	swait.ge [sflag:s4], $0x0  }
0x19: {  	s7 =	sld [smem:$0x3F9A]  }
0x1a: {  	s8 =	sadd.s32 $0xFFFFE003, lr  }
0x1b: {  	s9 =	sadd.s32 $0xFFFFFEF7, lr;
	s5 =	simm.s32 $0xFFFFFFFF;
	p2 =	slt.u32 s8, $0xFFFFF086  }
0x1c: {  	p1 =	slt.u32 s9, $0xF7A;
	s5 =	simm.s32 @!p2 $0x0  }
0x1d: {  	s5 =	simm.s32 @p1 $0x1;
	p0 =	seq.s32 s7, s2  }
0x1e: {  	s7 =	smul.u32 @!p0 $0xF7A, s2;
	p2 =	seq.s32 @!p0 s5, $0x0  }
0x1f: {  	s9 =	smul.u32 $0xF7A, s1;
	s8 =	simm.s32 @!p0 $0x1BF5;
	p2 =	por !p2, p0  }
0x20: {  	[sflag:s8] =	ssyncset.s32 @!p0 $0xFFFFF086;
	s6 =	sadd.s32 @!p0 s3, s7;
	s7 =	simm.s32 @!p0 $0x108  }
0x21: {  	s3 =	sadd.s32 s3, s9;
	s6 =	sadd.s32 @!p0 $0x88, s6;
	s7 =	simm.s32 @p2 $0x1082  }
0x22: {  	[simem:s7], [sflag:s8] =	dma.local @!p0 [hbm:s6], $0xF7A  }
0x23: {  	s9 =	sor.u32 $0xD0000000, s2;
	s6 =	simm.s32 $0x108;
	_ =	swait.ge @!p0 [sflag:s8], $0x0  }
0x24: {  	s3 =	sadd.s32 $0x88, s3;
	s6 =	simm.s32 @!p1 $0x1082;
	[sflag:s4] =	ssyncset.s32 $0xFFFFF086  }
0x25: {  	[simem:s6], [sflag:s4] =	dma.local [hbm:s3], $0xF7A  }
0x26: {  	[smem:$0x3F9A] =	sst s1;
	(tag) =	ssettag s2;
	_ =	strace s9  }
0x27: {  	s1 =	sld [smem:$0x3FAA]  }
0x28: {  	s2 =	sld [smem:$0x3FAB]  }
0x29: {  	s4 =	sld [smem:$0x3FAD]  }
0x2a: {  	p0 =	seq.s32 s5, $0x0;
	s5 =	sld [smem:$0x3FAE]  }
0x2b: {  	s6 =	sld [smem:$0x3FAF]  }
0x2c: {  	s7 =	sld [smem:$0x3FB0]  }
0x2d: {  	s3 =	simm.s32 $0x108;
	s8 =	sld [smem:$0x3FB1]  }
0x2e: {  	s3 =	simm.s32 @!p0 $0x1082;
	s9 =	sld [smem:$0x3FB2]  }
0x2f: {  	lr =	sadd.s32 s0, s3;
	s0 =	sld [smem:$0x3FA9]  }
0x30: {  	s3 =	sld [smem:$0x3FAC]  }
0x31: {  	[smem:$0x3FB5] =	sst s10  }
0x32: {  	s10 =	sld [smem:$0x3FB3];
	_ =	sdelay $0x3  }
0x33: {  	p0 =	seq.s32 s10, $0x1;
	s10 =	sld [smem:$0x3FB5];
	_ =	sdelay $0x3  }
0x34: {  	[smem:$0x3FB5] =	sst s10  }
0x35: {  	s10 =	sld [smem:$0x3FB4];
	_ =	sdelay $0x3  }
0x36: {  	p1 =	seq.s32 s10, $0x1;
	s10 =	sld [smem:$0x3FB5];
	_ =	sdelay $0x3  }
0x37: {  	[smem:$0x3FB5] =	sst s10  }
0x38: {  	s10 =	sld [smem:$0x3FB6]  }
0x39: {  	_ = 	snop;
	(pc) =	sbr.ind lr, $3  }
0x3a: {  	_ = 	snop  }
0x3b: {  	_ = 	snop  }
0x3c: {  	p2 =	seq.s32 s10, $0x1;
	s10 =	sld [smem:$0x3FB5]  }
0x3d: {  	_ =	shalt  }
0x3e: {  	_ =	shalt  }
0x3f: {  	_ =	shalt  }
0x40: {  	_ =	shalt  }
0x41: {  	_ =	shalt  }
0x42: {  	_ =	shalt  }
0x43: {  	_ =	shalt  }
0x44: {  	_ =	shalt  }
0x45: {  	_ =	shalt  }
0x46: {  	_ =	shalt  }
0x47: {  	_ =	shalt  }
0x48: {  	_ =	shalt  }
0x49: {  	_ =	shalt  }
0x4a: {  	_ =	shalt  }
0x4b: {  	_ =	shalt  }
0x4c: {  	_ =	shalt  }
0x4d: {  	_ =	shalt  }
0x4e: {  	_ =	shalt  }
0x4f: {  	_ =	shalt  }
0x50: {  	_ =	shalt  }
0x51: {  	_ =	shalt  }
0x52: {  	_ =	shalt  }
0x53: {  	_ =	shalt  }
0x54: {  	_ =	shalt  }
0x55: {  	_ =	shalt  }
0x56: {  	_ =	shalt  }
0x57: {  	_ =	shalt  }
0x58: {  	_ =	shalt  }
0x59: {  	_ =	shalt  }
0x5a: {  	_ =	shalt  }
0x5b: {  	_ =	shalt  }
0x5c: {  	_ =	shalt  }
0x5d: {  	_ =	shalt  }
0x5e: {  	_ =	shalt  }
0x5f: {  	_ =	shalt  }
0x60: {  	_ =	shalt  }
0x61: {  	_ =	shalt  }
0x62: {  	_ =	shalt  }
0x63: {  	_ =	shalt  }
0x64: {  	_ =	shalt  }
0x65: {  	_ =	shalt  }
0x66: {  	_ =	shalt  }
0x67: {  	_ =	shalt  }
0x68: {  	_ =	shalt  }
0x69: {  	_ =	shalt  }
0x6a: {  	_ =	shalt  }
0x6b: {  	_ =	shalt  }
0x6c: {  	_ =	shalt  }
0x6d: {  	_ =	shalt  }
0x6e: {  	_ =	shalt  }
0x6f: {  	_ =	shalt  }
0x70: {  	_ =	shalt  }
0x71: {  	_ =	shalt  }
0x72: {  	_ =	shalt  }
0x73: {  	_ =	shalt  }
0x74: {  	_ =	shalt  }
0x75: {  	_ =	shalt  }
0x76: {  	_ =	shalt  }
0x77: {  	_ =	shalt  }
0x78: {  	_ =	shalt  }
0x79: {  	_ =	shalt  }
0x7a: {  	_ =	shalt  }
0x7b: {  	_ =	shalt  }
0x7c: {  	_ =	shalt  }
0x7d: {  	_ =	shalt  }
0x7e: {  	_ =	shalt  }
0x7f: {  	_ =	shalt  }
0x80: {  	_ =	shalt  }
0x81: {  	_ =	shalt  }
0x82: {  	_ =	shalt  }
0x83: {  	_ =	shalt  }
0x84: {  	_ =	shalt  }
0x85: {  	_ =	shalt  }
0x86: {  	_ =	shalt  }
0x87: {  	_ =	shalt  }
.Lfunc_end0:
.L_simem_size_0:
called_computation_lowered:
.L_overlay_start_0:
0x88: {  	s2 =	sld [smem:$0x3FD9]  }
0x89: {  	s3 =	sld [smem:$0x3FFE];
	_ =	sdelay $0x1  }
0x8a: {  	s1 =	srdreg.scid  }
0x8b: {  	s0 =	sand.u32 $0x1, s1  }
0x8c: {  	s17 =	sshll.u32 s0, $0xA;
	s2 =	sadd.s32 s3, s2  }
0x8d: {  	s2 =	sadd.s32 s2, s17  }
0x8e: {  	[smem:$0x3FC1] =	sst s2  }
0x8f: {  	_ = 	snop  }
0x90: {  	s2 =	sld [smem:$0x3FC9];
	(tm) =	ssettm $0x1  }
0x91: {  	s18 =	sld [smem:$0x3FFB];
	_ =	sdelay $0x3  }
0x92: {  	_ =	strace s18  }
0x93: {  	s3 =	sld [smem:$0x3FFC];
	_ =	sdelay $0x3  }
0x94: {  	_ =	strace s3  }
0x95: {  	s3 =	sld [smem:$0x3FFD];
	_ =	sdelay $0x3  }
0x96: {  	_ =	strace s3  }
0x97: {  	_ =	strace $0x8FFFFFFF  }
0x98: {  	s19 =	sld [smem:$0x3FDB];
	_ =	sdelay $0x1  }
0x99: {  	s4 =	simm.s32 $_scs_section_size  }
0x9a: {  	s5 =	simm.s32 $_size__tile_overlayer_lowered;
	s6 =	simm.s32 $_tile_overlayer_lowered  }
0x9b: {  	s22 =	simm.s32 $0x1BFF;
	s21 =	sshll.u32 s6, $0x1;
	s3 =	sadd.s32 s4, s19  }
0x9c: {  	s7 =	simm.s32 $0x0;
	s20 =	sshll.u32 s5, $0x1;
	s5 =	sadd.s32 s21, s3  }
0x9d: {  	[timem:s7], [sflag:s22] =	dma.local [hbm:s5], s20  }
0x9e: {  	_ =	swait.ge [sflag:s22], s20  }
0x9f: {  	s4 =	ssub.s32 $0x0, s20;
	[sflag:s22] =	ssyncset.done $0x0  }
0xa0: {  	[sflag:s22] =	ssyncadd.s32 s4;
	_ =	sdelay $0x1  }
0xa1: {  	s23 =	simm.s32 $0x1B8B  }
0xa2: {  	_ =	swait.ge [sflag:s23], $0x1  }
0xa3: {  	[sflag:s23] =	ssyncset.done $0x0  }
0xa4: {  	s25 =	simm.s32 $0x1B8E;
	s24 =	sld [smem:$0x3FFE];
	[sflag:s23] =	ssyncadd.s32 $0xFFFFFFFF  }
0xa5: {  	s26 =	simm.s32 $execute0_lowered;
	[smem:$0x3FD2] =	sst s25  }
0xa6: {  	s5 =	sshll.u32 s26, $0x1;
	_ =	strace $0x80000046;
	[dreg:$0x1] =	wrdreg $0xFFFFFFFF  }
0xa7: {  	s28 =	simm.s32 $_size_execute0_lowered;
	s3 =	sadd.s32 s3, s5;
	[dreg:$0x0] =	wrdreg $0x0  }
0xa8: {  	s5 =	sshll.u32 s28, $0x1;
	[dreg:$0x2] =	wrdreg s3  }
0xa9: {  	[dreg:$0x3] =	wrdreg s5  }
0xaa: {  	[dreg:$0x4] =	wrdreg $0xC0  }
0xab: {  	_ =	task [dreg:s7], $0x5FFFF  }
0xac: {  	[dreg:$0x1] =	wrdreg $0xFFFFFFFF  }
0xad: {  	[dreg:$0x0] =	wrdreg $0x60  }
0xae: {  	[dreg:$0x2] =	wrdreg s24  }
0xaf: {  	[dreg:$0x3] =	wrdreg s2  }
0xb0: {  	[dreg:$0x4] =	wrdreg $0x9  }
0xb1: {  	_ =	task.clear_ibuf [dreg:s7], $0x5FFFF;
	_ =	strace $0x90000046  }
0xb2: {  	s29 =	simm.s32 $0x9;
	_ =	strace $0x80000048  }
0xb3: {  	_ =	swait.ge [sflag:s29], $0x1  }
0xb4: {  	[sflag:s29] =	ssyncadd.s32 $0xFFFFFFFF  }
0xb5: {  	_ =	strace $0x90000048  }
0xb6: {  	_ =	sfence  }
0xb7: {  	s30 =	sld [smem:$0x0];
	_ =	sdelay $0x2  }
0xb8: {  	s31 =	sshll.u32 s1, $0xD;
	s1 =	sshrl.u32 s1, $0x2  }
0xb9: {  	s3 =	sand.u32 $0x4000, s31;
	s1 =	sadd.s32 s1, s30  }
0xba: {  	s0 =	sor.u32 s3, s0;
	s1 =	sshll.u32 s1, $0x11  }
0xbb: {  	s0 =	sor.u32 s1, s0  }
0xbc: {  	s0 =	sadd.s32 $0x8F2B, s0  }
0xbd: {  	[sflag:s0] =	ssyncadd.remote.s32 $0x1  }
0xbe: {  	_ =	sfence.sel $0xFFFF  }
0xbf: {  	[dreg:$0x0] =	wrdreg $0xFFFFFFFF;
	(pc) =	sbr.abs _section_cstart, $3  }
0xc0: {  	[dreg:$0x1] =	wrdreg $0xFFFFFFFF  }
0xc1: {  	_ =	task.clear_ibuf [dreg:s7], $0x2FFFF;
	_ =	strace $0x9FFFFFFF  }
0xc2: {  	(tm) =	ssettm $0x7FFFFFFF  }
0xc3: {  	_ =	shalt  }
tec
execute0_lowered:
.L_overlay_start_1:
0x0: {  	(tag) =	ssettag $0x1  }
0x1: {  	s8 =	rddreg [dreg:$0x0]  }
0x2: {  	s3 =	rddreg [dreg:$0x1]  }
0x3: {  	s2 =	srdreg.scid;
	s0 =	rddreg [dreg:$0x2]  }
0x4: {  	s1 =	stileid.u32;
	s7 =	simm.s32 $0x1;
	s6 =	sand.u32 $0x1, s2  }
0x5: {  	s2 =	simm.s32 $0x0;
	s4 =	sshll.u32 s1, $0x7;
	s5 =	sshll.u32 s6, $0x6  }
0x6: {  	[smem:$0x7FF] =	sst s2;
	s10 =	ssub.s32 $0x2, s6;
	s9 =	sor.u32 s5, s4  }
0x7: {  	_ =	strace $0x80000047;
	s4 =	sadd.s32 s3, s9;
	s3 =	simm.s32 $0x2  }
0x8: {  	[tilespmem:s2], [sflag:$0x2] =	stream.linear.gather [hbm4b:s4+s2], $0x200, $0x38;
	[tilespmem:$0x400] =	vst v63  }
0x9: {  	s6 =	simm.s32 $0x200;
	s11 =	sshrl.u32 s10, $0x1;
	_ =	swait.ge [sflag:s3], $0x200  }
0xa: {  	s5 =	sadd.s32 $0xC00, s8;
	s31 =	ssub.s32 s10, s11;
	[sflag:s3] =	ssyncset.done $0x0  }
0xb: {  	s8 =	sadd.s32 s9, s8;
	s9 =	smax.u32 s31, $0x1;
	[sflag:s3] =	ssyncadd.s32 $0xFFFFFE00  }
0xc: {  	[tilespmem:s6], [sflag:$0x1] =	stream.indirect.gather [hbm4b:s5+s6], $0x1, s2, s6, $0xb8;
	[tilespmem:$0x400] =	vst v63  }
0xd: {  	p0 =	sne.s32 s9, $0x1;
	_ =	swait.ge [sflag:s7], $0x200  }
.Ltmp0:
0xe: {  	[sflag:s7] =	ssyncset.done $0x0;
	(pc) =	sbr.rel @!p0 .LBB2_2-.Ltmp0, $4  }
0xf: {  	s8 =	sadd.s32 $0x3E00, s8;
	[sflag:s7] =	ssyncadd.s32 $0xFFFFFE00  }
0x10: {  	[hbm4b:s8+s2] =	stream.linear.scatter [tilespmem:s6], [sflag:$0x2], $0x200, $0x38;
	[tilespmem:$0x400] =	vst v63  }
0x11: {  	_ =	swait.ge [sflag:s3], $0x200  }
0x12: {  	s9 =	sadd.s32 $0xFFFFFFFF, s9;
	[sflag:s3] =	ssyncset.done $0x0  }
.LBB2_1:
0x13: {  	p0 =	sne.s32 s9, $0x1;
	s9 =	sadd.s32 $0xFFFFFFFF, s9;
	[sflag:s3] =	ssyncadd.s32 $0xFFFFFE00  }
0x14: {  	[tilespmem:s2], [sflag:$0x2] =	stream.linear.gather [hbm4b:s4+s2], $0x200, $0x38;
	[tilespmem:$0x400] =	vst v63  }
0x15: {  	_ =	swait.ge [sflag:s3], $0x200  }
0x16: {  	[sflag:s3] =	ssyncset.done $0x0  }
0x17: {  	[sflag:s3] =	ssyncadd.s32 $0xFFFFFE00  }
0x18: {  	[tilespmem:s6], [sflag:$0x1] =	stream.indirect.gather [hbm4b:s5+s6], $0x1, s2, s6, $0xb8;
	[tilespmem:$0x400] =	vst v63  }
0x19: {  	_ =	swait.ge [sflag:s7], $0x200  }
.Ltmp1:
0x1a: {  	[sflag:s7] =	ssyncset.done $0x0;
	(pc) =	sbr.rel @p0 .LBB2_1-.Ltmp1, $4  }
0x1b: {  	[sflag:s7] =	ssyncadd.s32 $0xFFFFFE00  }
0x1c: {  	[hbm4b:s8+s2] =	stream.linear.scatter [tilespmem:s6], [sflag:$0x2], $0x200, $0x38;
	[tilespmem:$0x400] =	vst v63  }
0x1d: {  	_ =	swait.ge [sflag:s3], $0x200  }
0x1e: {  	[sflag:s3] =	ssyncset.done $0x0  }
.LBB2_2:
0x1f: {  	[sflag:s3] =	ssyncadd.s32 $0xFFFFFE00  }
0x20: {  	_ =	sfence.sel $0x180000  }
0x21: {  	[bflag:$0x0] =	sbarrier.arrive $0xFFFF  }
0x22: {  	p0 =	sne.s32 s1, $0x0;
	_ =	strace $0x90000047  }
0x23: {  	s0 =	sadd.s32 @!p0 $0x100000, s0;
	[bflag:$0x2] =	sbarrier.arrive $0xFFFF  }
0x24: {  	[sflag:s0] =	ssyncadd.tile.s32 @!p0 $0x1;
	_ =	shalt  }
.Lfunc_end2:
_tile_overlayer_lowered:
.L_overlay_start_2:
0x25: {  	(tag) =	ssettag $0x2  }
0x26: {  	s0 =	rddreg [dreg:$0x0];
	s2 =	stileid.u32  }
0x27: {  	s1 =	rddreg [dreg:$0x1];
	p0 =	sne.s32 s2, $0x0  }
0x28: {  	s3 =	rddreg [dreg:$0x2];
	[bflag:$0x3] =	sbarrier.arrive $0xFFFF;
	s2 =	simm.s32 @!p0 $0x1C02  }
0x29: {  	[timem:s3], [sflag:s2] =	dma.local @!p0 [hbm:s0], s1  }
0x2a: {  	s0 =	simm.s32 @!p0 $0x2  }
0x2b: {  	_ =	swait.ge @!p0 [sflag:s0], s1  }
0x2c: {  	s1 =	ssub.s32 @!p0 $0x0, s1;
	[sflag:s0] =	ssyncset.done @!p0 $0x0  }
0x2d: {  	[sflag:s0] =	ssyncadd.s32 @!p0 s1  }
0x2e: {  	[bflag:$0x3] =	sbarrier.arrive $0xFFFF  }
0x2f: {  	_ =	shalt  }

</sc_bundles>
